<compile_context>
chip_gen: v7x
topology: tpu7x:2x2x1
jax: 0.10.2.dev20260603
libtpu: 0.0.44.dev20260713+nightly
codegen_flags: <defaults>
</compile_context>

<pallas_src>
import functools

import jax
import jax.numpy as jnp
from jax import lax
from jax.experimental import pallas as pl
from jax.experimental.pallas import tpu as pltpu
from jax.experimental.pallas import tpu_sc as plsc

N = 10000
E = 320000
D = 128
H = 256
HH = H // 2
G = 16
OUT = 2
EPS = 1e-5
NP = 10240
DW = 128

NC = 2
NS = 16
K = 80
KA = 40
ROWS_PER_SUB = NP // NS
EDGES_PER_SUB_DEG = E // (NC * NS)
EDGES_PER_SUB_AGG = E // NS

@functools.cache
def _mesh():
  return plsc.VectorSubcoreMesh(
      core_axis_name="c", subcore_axis_name="s", num_cores=NC, num_subcores=NS)

HIGHEST = lax.Precision.HIGHEST



NCHUNK_DEG = EDGES_PER_SUB_DEG // K
NCHUNK_AGG = EDGES_PER_SUB_AGG // KA


def _deg_body(dstr_hbm, ones_hbm, zeros_hbm, out_hbm, dst2d, ones_v, acc, sem):
  c = lax.axis_index("c")
  s = lax.axis_index("s")
  wid = c * NS + s
  rows = pl.ds(s * ROWS_PER_SUB, ROWS_PER_SUB)
  pltpu.sync_copy(ones_hbm, ones_v)
  pltpu.sync_copy(dstr_hbm.at[wid], dst2d)
  pltpu.sync_copy(zeros_hbm.at[rows], acc.at[rows])
  plsc.subcore_barrier()

  @pl.loop(0, NCHUNK_DEG // 5)
  def _(g):
    descs = [pltpu.async_copy(ones_v, acc.at[dst2d.at[g * 5 + i]], sem, add=True)
             for i in range(5)]
    for dsc in descs:
      dsc.wait()

  plsc.subcore_barrier()
  pltpu.sync_copy(acc.at[rows], out_hbm.at[c].at[rows])


@jax.jit
def _deg(dstr32, ones16, zeros16):
  return pl.kernel(
      _deg_body,
      out_type=jax.ShapeDtypeStruct((NC, NP, DW), jnp.float32),
      mesh=_mesh(),
      scratch_types=[
          pltpu.VMEM((NCHUNK_DEG, K), jnp.int32),
          pltpu.VMEM((K, DW), jnp.float32),
          pltpu.VMEM_SHARED((NP, DW), jnp.float32),
          pltpu.SemaphoreType.DMA,
      ],
  )(dstr32, ones16, zeros16)


NSEC = 5
CPS = NCHUNK_AGG // NSEC
QPS = CPS // 4
NBUF = 4


def _agg_body(h_hbm, srcr_hbm, dstr_hbm, out_hbm,
              src2d, dst2d, rows0, rows1, rows2, rows3, acc,
              sem0, sem1, sem2, sem3):
  c = lax.axis_index("c")
  s = lax.axis_index("s")
  rows = pl.ds(s * ROWS_PER_SUB, ROWS_PER_SUB)
  bufs = (rows0, rows1, rows2, rows3)
  sems = (sem0, sem1, sem2, sem3)
  pltpu.sync_copy(h_hbm.at[c].at[rows], acc.at[rows])
  plsc.subcore_barrier()

  dummy = h_hbm.at[c].at[pl.ds(0, KA)]

  for sec in range(NSEC):
    pltpu.sync_copy(srcr_hbm.at[s].at[sec], src2d)
    pltpu.sync_copy(dstr_hbm.at[s].at[sec], dst2d)
    for b in range(NBUF):
      pltpu.async_copy(h_hbm.at[c].at[src2d.at[b]], bufs[b], sems[b])

    @pl.loop(0, QPS)
    def _(q):
      j0 = NBUF * q
      for b in range(NBUF):
        j = j0 + b
        pltpu.make_async_copy(dummy, bufs[b], sems[b]).wait()
        pltpu.sync_copy(bufs[b], acc.at[dst2d.at[j]], add=True)

        @pl.when(q < QPS - 1)
        def _():
          pltpu.async_copy(h_hbm.at[c].at[src2d.at[j + NBUF]], bufs[b], sems[b])

  plsc.subcore_barrier()
  pltpu.sync_copy(acc.at[rows], out_hbm.at[c].at[rows])


@jax.jit
def _agg(hsplit, srcr, dstr):
  return pl.kernel(
      _agg_body,
      out_type=jax.ShapeDtypeStruct((NC, NP, HH), jnp.float32),
      mesh=_mesh(),
      scratch_types=[
          pltpu.VMEM((CPS, KA), jnp.int32),
          pltpu.VMEM((CPS, KA), jnp.int32),
          pltpu.VMEM((KA, HH), jnp.float32),
          pltpu.VMEM((KA, HH), jnp.float32),
          pltpu.VMEM((KA, HH), jnp.float32),
          pltpu.VMEM((KA, HH), jnp.float32),
          pltpu.VMEM_SHARED((NP, HH), jnp.float32),
          pltpu.SemaphoreType.DMA,
          pltpu.SemaphoreType.DMA,
          pltpu.SemaphoreType.DMA,
          pltpu.SemaphoreType.DMA,
      ],
  )(hsplit, srcr, dstr)



def _dinv_from_parts(degp_ref):
  deg = degp_ref[0][:N, 0:1] + degp_ref[1][:N, 0:1] + 1.0
  return lax.rsqrt(deg)


RB = 640


def _tc_a_body(x_ref, degp_ref, w1_ref, h_out_ref):
  deg = degp_ref[0][:, 0:1] + degp_ref[1][:, 0:1] + 1.0
  dinv = lax.rsqrt(deg)
  xs = x_ref[...] * dinv
  hp = jnp.dot(xs, w1_ref[...],
               preferred_element_type=jnp.float32, precision=HIGHEST)
  h_out_ref[0] = hp[:, :HH]
  h_out_ref[1] = hp[:, HH:]


@jax.jit
def _tc_a(xpad, degparts, w1):
  return pl.pallas_call(
      _tc_a_body,
      grid=(NP // RB,),
      in_specs=[
          pl.BlockSpec((RB, D), lambda i: (i, 0)),
          pl.BlockSpec((NC, RB, DW), lambda i: (0, i, 0)),
          pl.BlockSpec((D, H), lambda i: (0, 0)),
      ],
      out_specs=pl.BlockSpec((NC, RB, DW), lambda i: (0, i, 0)),
      out_shape=jax.ShapeDtypeStruct((NC, NP, HH), jnp.float32),
  )(xpad, degparts, w1)


def _bn_relu(z, gamma, beta):
  mu = jnp.mean(z, axis=0, keepdims=True)
  var = jnp.mean((z - mu) * (z - mu), axis=0, keepdims=True)
  return jnp.maximum(gamma * (z - mu) * lax.rsqrt(var + EPS) + beta, 0.0)


def _tc_b_body(agg_ref, degp_ref, b1_ref, g1_ref, be1_ref, w2_ref,
               h_out_ref, stat_ref):
  p = pl.program_id(0)
  i = pl.program_id(1)
  deg = degp_ref[0][:, 0:1] + degp_ref[1][:, 0:1] + 1.0
  dinv = lax.rsqrt(deg)
  za = agg_ref[0] * dinv + b1_ref[:, :HH]
  zb = agg_ref[1] * dinv + b1_ref[:, HH:]
  z = jnp.concatenate([za, zb], axis=1)

  @pl.when(p == 0)
  def _():
    @pl.when(i == 0)
    def _():
      stat_ref[...] = jnp.zeros((2, H), jnp.float32)
    rows = i * RB + lax.broadcasted_iota(jnp.int32, (RB, 1), 0)
    zm = jnp.where(rows < N, z, 0.0)
    stat_ref[0:1] += jnp.sum(zm, axis=0, keepdims=True)
    stat_ref[1:2] += jnp.sum(zm * zm, axis=0, keepdims=True)

  @pl.when(p == 1)
  def _():
    mu = stat_ref[0:1] * (1.0 / N)
    var = stat_ref[1:2] * (1.0 / N) - mu * mu
    y = jnp.maximum(
        g1_ref[...] * (z - mu) * lax.rsqrt(var + EPS) + be1_ref[...], 0.0)
    ys = y * dinv
    hp = jnp.dot(ys, w2_ref[...],
                 preferred_element_type=jnp.float32, precision=HIGHEST)
    h_out_ref[0] = hp[:, :HH]
    h_out_ref[1] = hp[:, HH:]


@jax.jit
def _tc_b(aggsplit, degparts, b1, g1, be1, w2):
  return pl.pallas_call(
      _tc_b_body,
      grid=(2, NP // RB),
      in_specs=[
          pl.BlockSpec((NC, RB, DW), lambda p, i: (0, i, 0)),
          pl.BlockSpec((NC, RB, DW), lambda p, i: (0, i, 0)),
          pl.BlockSpec((1, H), lambda p, i: (0, 0)),
          pl.BlockSpec((1, H), lambda p, i: (0, 0)),
          pl.BlockSpec((1, H), lambda p, i: (0, 0)),
          pl.BlockSpec((H, H), lambda p, i: (0, 0)),
      ],
      out_specs=pl.BlockSpec((NC, RB, DW), lambda p, i: (0, i, 0)),
      out_shape=jax.ShapeDtypeStruct((NC, NP, HH), jnp.float32),
      scratch_shapes=[pltpu.VMEM((2, H), jnp.float32)],
  )(aggsplit, degparts, b1, g1, be1, w2)


def _tc_c_body(agg_ref, degp_ref, b2_ref, g2_ref, be2_ref, batch_ref,
               wc1_ref, bc1_ref, wc2_ref, bc2_ref, out_ref):
  dinv = _dinv_from_parts(degp_ref)
  ya = _bn_relu(agg_ref[0][:N] * dinv + b2_ref[:, :HH],
                g2_ref[:, :HH], be2_ref[:, :HH])
  yb = _bn_relu(agg_ref[1][:N] * dinv + b2_ref[:, HH:],
                g2_ref[:, HH:], be2_ref[:, HH:])
  gids = lax.broadcasted_iota(jnp.int32, (1, G), 1)
  onehot = (batch_ref[...] == gids).astype(jnp.float32)
  dn = (((0,), (0,)), ((), ()))
  sums_a = lax.dot_general(onehot, ya, dn,
                           preferred_element_type=jnp.float32,
                           precision=HIGHEST)
  sums_b = lax.dot_general(onehot, yb, dn,
                           preferred_element_type=jnp.float32,
                           precision=HIGHEST)
  cnts = jnp.sum(onehot, axis=0)[:, None]
  scale = 1.0 / jnp.maximum(cnts, 1.0)
  z = jnp.maximum(
      jnp.dot(sums_a * scale, wc1_ref[:HH, :],
              preferred_element_type=jnp.float32, precision=HIGHEST)
      + jnp.dot(sums_b * scale, wc1_ref[HH:, :],
                preferred_element_type=jnp.float32, precision=HIGHEST)
      + bc1_ref[...], 0.0)
  out_ref[...] = jnp.dot(z, wc2_ref[...],
                         preferred_element_type=jnp.float32,
                         precision=HIGHEST) + bc2_ref[...]


@jax.jit
def _tc_c(aggsplit, degparts, b2, g2, be2, batch2d, wc1, bc1, wc2, bc2):
  return pl.pallas_call(
      _tc_c_body,
      out_shape=jax.ShapeDtypeStruct((G, OUT), jnp.float32),
  )(aggsplit, degparts, b2, g2, be2, batch2d, wc1, bc1, wc2, bc2)



def kernel(x, edge_index, batch, W1, b1, g1, be1, W2, b2, g2, be2,
           Wc1, bc1, Wc2, bc2):
  src = edge_index[0]
  dst = edge_index[1]
  srcr = src.reshape(NS, NSEC, CPS, KA)
  dstr = dst.reshape(NS, NSEC, CPS, KA)
  dstr32 = dst.reshape(NC * NS, NCHUNK_DEG, K)
  ones16 = jnp.ones((K, DW), jnp.float32)
  zeros16 = jnp.zeros((NP, DW), jnp.float32)

  degparts = _deg(dstr32, ones16, zeros16)
  xpad = jnp.concatenate([x, jnp.zeros((NP - N, D), jnp.float32)], axis=0)
  hsplit1 = _tc_a(xpad, degparts, W1)
  aggsplit1 = _agg(hsplit1, srcr, dstr)
  hsplit2 = _tc_b(aggsplit1, degparts, b1.reshape(1, H), g1.reshape(1, H),
                  be1.reshape(1, H), W2)
  aggsplit2 = _agg(hsplit2, srcr, dstr)
  logits = _tc_c(aggsplit2, degparts, b2.reshape(1, H), g2.reshape(1, H),
                 be2.reshape(1, H), batch.reshape(N, 1),
                 Wc1, bc1.reshape(1, H), Wc2, bc2.reshape(1, OUT))
  return logits

# --- scband reference (transcript-rebuilt; emitter-appended) ---
"""Pipeline reference for scband-simple-gnn-20950850470284 (READ-ONLY COPY).

The authoritative reference and input builder live on the scoring server;
editing this copy changes nothing except your own understanding.
"""

import jax, jax.numpy as jnp
import numpy as np

N = 10000
E = 320000
D = 128
H = 256
G = 16
OUT = 2
EPS = 1e-5

def gcn_conv(x, src, dst, W, b, num_nodes):
    h = x @ W
    loop = jnp.arange(num_nodes, dtype=src.dtype)
    s = jnp.concatenate([src, loop])
    d = jnp.concatenate([dst, loop])
    ones = jnp.ones(s.shape[0], dtype=h.dtype)
    deg = jnp.zeros(num_nodes, dtype=h.dtype).at[d].add(ones)
    dinv = jnp.where(deg > 0, jax.lax.rsqrt(jnp.maximum(deg, 1e-12)), 0.0)
    norm = dinv[s] * dinv[d]
    msg = h[s] * norm[:, None]
    out = jnp.zeros((num_nodes, h.shape[1]), dtype=h.dtype).at[d].add(msg)
    return out + b

def batch_norm(x, gamma, beta):
    mu = jnp.mean(x, axis=0)
    var = jnp.var(x, axis=0)
    return gamma * (x - mu) * jax.lax.rsqrt(var + EPS) + beta

def setup_inputs(seed: int = 0):
    key = jax.random.key(seed)
    ks = jax.random.split(key, 12)
    x = jax.random.normal(ks[0], (N, D), jnp.float32)
    edge_index = jax.random.randint(ks[1], (2, E), 0, N, jnp.int32)
    batch = jnp.sort(jax.random.randint(ks[2], (N,), 0, G, jnp.int32))
    W1 = jax.random.normal(ks[3], (D, H), jnp.float32) / np.sqrt(D)
    b1 = jnp.zeros((H,), jnp.float32)
    g1 = jnp.ones((H,), jnp.float32)
    be1 = jnp.zeros((H,), jnp.float32)
    W2 = jax.random.normal(ks[4], (H, H), jnp.float32) / np.sqrt(H)
    b2 = jnp.zeros((H,), jnp.float32)
    g2 = jnp.ones((H,), jnp.float32)
    be2 = jnp.zeros((H,), jnp.float32)
    Wc1 = jax.random.normal(ks[5], (H, H), jnp.float32) / np.sqrt(H)
    bc1 = jnp.zeros((H,), jnp.float32)
    Wc2 = jax.random.normal(ks[6], (H, OUT), jnp.float32) / np.sqrt(H)
    bc2 = jnp.zeros((OUT,), jnp.float32)
    return {"x": x, "edge_index": edge_index, "batch": batch, "W1": W1, "b1": b1, "g1": g1, "be1": be1, "W2": W2, "b2": b2, "g2": g2, "be2": be2, "Wc1": Wc1, "bc1": bc1, "Wc2": Wc2, "bc2": bc2}

def reference(x, edge_index, batch, W1, b1, g1, be1, W2, b2, g2, be2, Wc1, bc1, Wc2, bc2):
    src = edge_index[0]
    dst = edge_index[1]
    h = gcn_conv(x, src, dst, W1, b1, N)
    h = jax.nn.relu(batch_norm(h, g1, be1))
    h = gcn_conv(h, src, dst, W2, b2, N)
    h = jax.nn.relu(batch_norm(h, g2, be2))
    sums = jax.ops.segment_sum(h, batch, num_segments=G)
    cnts = jax.ops.segment_sum(jnp.ones((N, 1), h.dtype), batch, num_segments=G)
    pooled = sums / jnp.maximum(cnts, 1.0)
    z = jax.nn.relu(pooled @ Wc1 + bc1)
    logits = z @ Wc2 + bc2
    return logits

if __name__ == "__main__":
    import jax
    _d = setup_inputs()
    print(jax.jit(kernel)(*tuple(_d.values())))

</pallas_src>

<mosaic_0001>
#map = affine_map<(d0, d1) -> (0, 0, 0)>
#map1 = affine_map<(d0, d1) -> (0, 0)>
module attributes {stable_mosaic.version = 14 : i64} {
  func.func @_deg_body(%arg0: i32, %arg1: i32, %arg2: memref<32x125x80xi32, #tpu.memory_space<hbm>>, %arg3: memref<80x128xf32, #tpu.memory_space<hbm>>, %arg4: memref<10240x128xf32, #tpu.memory_space<hbm>>, %arg5: memref<2x10240x128xf32, #tpu.memory_space<hbm>>, %arg6: memref<125x80xi32, #tpu.memory_space<vmem>>, %arg7: memref<80x128xf32, #tpu.memory_space<vmem>>, %arg8: memref<10240x128xf32, #tpu.memory_space<vmem_shared>>, %arg9: memref<!tpu.dma_semaphore, #tpu.memory_space<semaphore_mem>>) attributes {dimension_semantics = [#tpu.dimension_semantics<core_parallel>, #tpu.dimension_semantics<subcore_parallel>], iteration_bounds = array<i64: 2, 16>, scalar_prefetch = 0 : i64, scratch_operands = 4 : i64, tpu.core_type = #tpu.core_type<sc_vector_subcore>, window_params = [{transform_indices = #map}, {transform_indices = #map1}, {transform_indices = #map1}, {transform_indices = #map}]} {
    %mul3A = arith.constant 16 : i32
    %mul3A_0 = arith.muli %arg0, %mul3A : i32
    %add3A = arith.addi %mul3A_0, %arg1 : i32
    %mul3A_1 = arith.constant 640 : i32
    %mul3A_2 = arith.muli %arg1, %mul3A_1 : i32
    "tpu.region"() ({
      %run_scoped3A = tpu.sem_alloc : memref<!tpu.dma_semaphore, #tpu.memory_space<semaphore_mem>>
      tpu.enqueue_dma source(%arg3 : memref<80x128xf32, #tpu.memory_space<hbm>>) target(%arg7 : memref<80x128xf32, #tpu.memory_space<vmem>>) target_semaphore(%run_scoped3A : memref<!tpu.dma_semaphore, #tpu.memory_space<semaphore_mem>>)
      tpu.wait_dma2 semaphore(%run_scoped3A : memref<!tpu.dma_semaphore, #tpu.memory_space<semaphore_mem>>) src(%arg3 : memref<80x128xf32, #tpu.memory_space<hbm>>) dst(%arg7 : memref<80x128xf32, #tpu.memory_space<vmem>>)
      tpu.yield
    }) : () -> ()
    "tpu.region"() ({
      %run_scoped3A = tpu.sem_alloc : memref<!tpu.dma_semaphore, #tpu.memory_space<semaphore_mem>>
      %dma_start3A = arith.constant 0 : i32
      %dma_start3A_8 = arith.constant 0 : i32
      %dma_start3A_9 = tpu.memref_slice %arg2[%add3A, %dma_start3A, %dma_start3A_8] : memref<32x125x80xi32, #tpu.memory_space<hbm>> -> memref<1x125x80xi32, #tpu.memory_space<hbm>>
      %dma_start3A_10 = tpu.memref_squeeze %dma_start3A_9 : memref<1x125x80xi32, #tpu.memory_space<hbm>> -> memref<125x80xi32, #tpu.memory_space<hbm>>
      %dma_start3A_11 = arith.constant 0 : i32
      %dma_start3A_12 = arith.constant 0 : i32
      %dma_start3A_13 = tpu.memref_slice %arg2[%add3A, %dma_start3A_11, %dma_start3A_12] : memref<32x125x80xi32, #tpu.memory_space<hbm>> -> memref<1x125x80xi32, #tpu.memory_space<hbm>>
      %dma_start3A_14 = tpu.memref_squeeze %dma_start3A_13 : memref<1x125x80xi32, #tpu.memory_space<hbm>> -> memref<125x80xi32, #tpu.memory_space<hbm>>
      tpu.enqueue_dma source(%dma_start3A_14 : memref<125x80xi32, #tpu.memory_space<hbm>>) target(%arg6 : memref<125x80xi32, #tpu.memory_space<vmem>>) target_semaphore(%run_scoped3A : memref<!tpu.dma_semaphore, #tpu.memory_space<semaphore_mem>>)
      %dma_wait3A = arith.constant 0 : i32
      %dma_wait3A_15 = arith.constant 0 : i32
      %dma_wait3A_16 = tpu.memref_slice %arg2[%add3A, %dma_wait3A, %dma_wait3A_15] : memref<32x125x80xi32, #tpu.memory_space<hbm>> -> memref<1x125x80xi32, #tpu.memory_space<hbm>>
      %dma_wait3A_17 = tpu.memref_squeeze %dma_wait3A_16 : memref<1x125x80xi32, #tpu.memory_space<hbm>> -> memref<125x80xi32, #tpu.memory_space<hbm>>
      %dma_wait3A_18 = arith.constant 0 : i32
      %dma_wait3A_19 = arith.constant 0 : i32
      %dma_wait3A_20 = tpu.memref_slice %arg2[%add3A, %dma_wait3A_18, %dma_wait3A_19] : memref<32x125x80xi32, #tpu.memory_space<hbm>> -> memref<1x125x80xi32, #tpu.memory_space<hbm>>
      %dma_wait3A_21 = tpu.memref_squeeze %dma_wait3A_20 : memref<1x125x80xi32, #tpu.memory_space<hbm>> -> memref<125x80xi32, #tpu.memory_space<hbm>>
      tpu.wait_dma2 semaphore(%run_scoped3A : memref<!tpu.dma_semaphore, #tpu.memory_space<semaphore_mem>>) src(%dma_wait3A_21 : memref<125x80xi32, #tpu.memory_space<hbm>>) dst(%arg6 : memref<125x80xi32, #tpu.memory_space<vmem>>)
      tpu.yield
    }) : () -> ()
    "tpu.region"() ({
      %run_scoped3A = tpu.sem_alloc : memref<!tpu.dma_semaphore, #tpu.memory_space<semaphore_mem>>
      %dma_start3A = arith.constant 0 : i32
      %dma_start3A_8 = tpu.memref_slice %arg8[%mul3A_2, %dma_start3A] : memref<10240x128xf32, #tpu.memory_space<vmem_shared>> -> memref<640x128xf32, #tpu.memory_space<vmem_shared>>
      %dma_start3A_9 = arith.constant 0 : i32
      %dma_start3A_10 = tpu.memref_slice %arg4[%mul3A_2, %dma_start3A_9] : memref<10240x128xf32, #tpu.memory_space<hbm>> -> memref<640x128xf32, #tpu.memory_space<hbm>>
      tpu.enqueue_dma source(%dma_start3A_10 : memref<640x128xf32, #tpu.memory_space<hbm>>) target(%dma_start3A_8 : memref<640x128xf32, #tpu.memory_space<vmem_shared>>) target_semaphore(%run_scoped3A : memref<!tpu.dma_semaphore, #tpu.memory_space<semaphore_mem>>)
      %dma_wait3A = arith.constant 0 : i32
      %dma_wait3A_11 = tpu.memref_slice %arg8[%mul3A_2, %dma_wait3A] : memref<10240x128xf32, #tpu.memory_space<vmem_shared>> -> memref<640x128xf32, #tpu.memory_space<vmem_shared>>
      %dma_wait3A_12 = arith.constant 0 : i32
      %dma_wait3A_13 = tpu.memref_slice %arg4[%mul3A_2, %dma_wait3A_12] : memref<10240x128xf32, #tpu.memory_space<hbm>> -> memref<640x128xf32, #tpu.memory_space<hbm>>
      tpu.wait_dma2 semaphore(%run_scoped3A : memref<!tpu.dma_semaphore, #tpu.memory_space<semaphore_mem>>) src(%dma_wait3A_13 : memref<640x128xf32, #tpu.memory_space<hbm>>) dst(%dma_wait3A_11 : memref<640x128xf32, #tpu.memory_space<vmem_shared>>)
      tpu.yield
    }) : () -> ()
    %barrier3A = arith.constant 0 : index
    tpu.barrier barrier_id(%barrier3A)
    %scan3A = arith.constant 0 : i32
    %scan3A_3 = arith.constant 25 : i32
    %scan3A_4 = arith.addi %scan3A, %scan3A_3 : i32
    %scan3A_5 = arith.constant 1 : i32
    scf.for %scan3A_8 = %scan3A to %scan3A_4 step %scan3A_5  : i32 {
      %mul3A_9 = arith.constant 1 : i32
      %mul3A_10 = arith.muli %scan3A_8, %mul3A_9 : i32
      %add3A_11 = arith.constant 0 : i32
      %add3A_12 = arith.addi %add3A_11, %mul3A_10 : i32
      %mul3A_13 = arith.constant 5 : i32
      %mul3A_14 = arith.muli %add3A_12, %mul3A_13 : i32
      %add3A_15 = arith.constant 0 : i32
      %add3A_16 = arith.addi %mul3A_14, %add3A_15 : i32
      %dma_start3A = arith.constant 0 : i32
      %dma_start3A_17 = tpu.memref_slice %arg6[%add3A_16, %dma_start3A] : memref<125x80xi32, #tpu.memory_space<vmem>> -> memref<1x80xi32, #tpu.memory_space<vmem>>
      %dma_start3A_18 = tpu.memref_squeeze %dma_start3A_17 : memref<1x80xi32, #tpu.memory_space<vmem>> -> memref<80xi32, #tpu.memory_space<vmem>>
      %dma_start3A_19 = arith.constant 0 : i32
      %dma_start3A_20 = arith.constant 0 : i32
      %dma_start3A_21 = tpu.memref_slice %arg8[%dma_start3A_19, %dma_start3A_20] : memref<10240x128xf32, #tpu.memory_space<vmem_shared>> -> memref<10240x128xf32, #tpu.memory_space<vmem_shared>>
      tpu.enqueue_indirect_dma source(%arg7 : memref<80x128xf32, #tpu.memory_space<vmem>>) target(%dma_start3A_21 : memref<10240x128xf32, #tpu.memory_space<vmem_shared>>) offsets(%dma_start3A_18 : memref<80xi32, #tpu.memory_space<vmem>>) semaphore(%arg9 : memref<!tpu.dma_semaphore, #tpu.memory_space<semaphore_mem>>) {add = true}
      %mul3A_22 = arith.constant 5 : i32
      %mul3A_23 = arith.muli %add3A_12, %mul3A_22 : i32
      %add3A_24 = arith.constant 1 : i32
      %add3A_25 = arith.addi %mul3A_23, %add3A_24 : i32
      %dma_start3A_26 = arith.constant 0 : i32
      %dma_start3A_27 = tpu.memref_slice %arg6[%add3A_25, %dma_start3A_26] : memref<125x80xi32, #tpu.memory_space<vmem>> -> memref<1x80xi32, #tpu.memory_space<vmem>>
      %dma_start3A_28 = tpu.memref_squeeze %dma_start3A_27 : memref<1x80xi32, #tpu.memory_space<vmem>> -> memref<80xi32, #tpu.memory_space<vmem>>
      %dma_start3A_29 = arith.constant 0 : i32
      %dma_start3A_30 = arith.constant 0 : i32
      %dma_start3A_31 = tpu.memref_slice %arg8[%dma_start3A_29, %dma_start3A_30] : memref<10240x128xf32, #tpu.memory_space<vmem_shared>> -> memref<10240x128xf32, #tpu.memory_space<vmem_shared>>
      tpu.enqueue_indirect_dma source(%arg7 : memref<80x128xf32, #tpu.memory_space<vmem>>) target(%dma_start3A_31 : memref<10240x128xf32, #tpu.memory_space<vmem_shared>>) offsets(%dma_start3A_28 : memref<80xi32, #tpu.memory_space<vmem>>) semaphore(%arg9 : memref<!tpu.dma_semaphore, #tpu.memory_space<semaphore_mem>>) {add = true}
      %mul3A_32 = arith.constant 5 : i32
      %mul3A_33 = arith.muli %add3A_12, %mul3A_32 : i32
      %add3A_34 = arith.constant 2 : i32
      %add3A_35 = arith.addi %mul3A_33, %add3A_34 : i32
      %dma_start3A_36 = arith.constant 0 : i32
      %dma_start3A_37 = tpu.memref_slice %arg6[%add3A_35, %dma_start3A_36] : memref<125x80xi32, #tpu.memory_space<vmem>> -> memref<1x80xi32, #tpu.memory_space<vmem>>
      %dma_start3A_38 = tpu.memref_squeeze %dma_start3A_37 : memref<1x80xi32, #tpu.memory_space<vmem>> -> memref<80xi32, #tpu.memory_space<vmem>>
      %dma_start3A_39 = arith.constant 0 : i32
      %dma_start3A_40 = arith.constant 0 : i32
      %dma_start3A_41 = tpu.memref_slice %arg8[%dma_start3A_39, %dma_start3A_40] : memref<10240x128xf32, #tpu.memory_space<vmem_shared>> -> memref<10240x128xf32, #tpu.memory_space<vmem_shared>>
      tpu.enqueue_indirect_dma source(%arg7 : memref<80x128xf32, #tpu.memory_space<vmem>>) target(%dma_start3A_41 : memref<10240x128xf32, #tpu.memory_space<vmem_shared>>) offsets(%dma_start3A_38 : memref<80xi32, #tpu.memory_space<vmem>>) semaphore(%arg9 : memref<!tpu.dma_semaphore, #tpu.memory_space<semaphore_mem>>) {add = true}
      %mul3A_42 = arith.constant 5 : i32
      %mul3A_43 = arith.muli %add3A_12, %mul3A_42 : i32
      %add3A_44 = arith.constant 3 : i32
      %add3A_45 = arith.addi %mul3A_43, %add3A_44 : i32
      %dma_start3A_46 = arith.constant 0 : i32
      %dma_start3A_47 = tpu.memref_slice %arg6[%add3A_45, %dma_start3A_46] : memref<125x80xi32, #tpu.memory_space<vmem>> -> memref<1x80xi32, #tpu.memory_space<vmem>>
      %dma_start3A_48 = tpu.memref_squeeze %dma_start3A_47 : memref<1x80xi32, #tpu.memory_space<vmem>> -> memref<80xi32, #tpu.memory_space<vmem>>
      %dma_start3A_49 = arith.constant 0 : i32
      %dma_start3A_50 = arith.constant 0 : i32
      %dma_start3A_51 = tpu.memref_slice %arg8[%dma_start3A_49, %dma_start3A_50] : memref<10240x128xf32, #tpu.memory_space<vmem_shared>> -> memref<10240x128xf32, #tpu.memory_space<vmem_shared>>
      tpu.enqueue_indirect_dma source(%arg7 : memref<80x128xf32, #tpu.memory_space<vmem>>) target(%dma_start3A_51 : memref<10240x128xf32, #tpu.memory_space<vmem_shared>>) offsets(%dma_start3A_48 : memref<80xi32, #tpu.memory_space<vmem>>) semaphore(%arg9 : memref<!tpu.dma_semaphore, #tpu.memory_space<semaphore_mem>>) {add = true}
      %mul3A_52 = arith.constant 5 : i32
      %mul3A_53 = arith.muli %add3A_12, %mul3A_52 : i32
      %add3A_54 = arith.constant 4 : i32
      %add3A_55 = arith.addi %mul3A_53, %add3A_54 : i32
      %dma_start3A_56 = arith.constant 0 : i32
      %dma_start3A_57 = tpu.memref_slice %arg6[%add3A_55, %dma_start3A_56] : memref<125x80xi32, #tpu.memory_space<vmem>> -> memref<1x80xi32, #tpu.memory_space<vmem>>
      %dma_start3A_58 = tpu.memref_squeeze %dma_start3A_57 : memref<1x80xi32, #tpu.memory_space<vmem>> -> memref<80xi32, #tpu.memory_space<vmem>>
      %dma_start3A_59 = arith.constant 0 : i32
      %dma_start3A_60 = arith.constant 0 : i32
      %dma_start3A_61 = tpu.memref_slice %arg8[%dma_start3A_59, %dma_start3A_60] : memref<10240x128xf32, #tpu.memory_space<vmem_shared>> -> memref<10240x128xf32, #tpu.memory_space<vmem_shared>>
      tpu.enqueue_indirect_dma source(%arg7 : memref<80x128xf32, #tpu.memory_space<vmem>>) target(%dma_start3A_61 : memref<10240x128xf32, #tpu.memory_space<vmem_shared>>) offsets(%dma_start3A_58 : memref<80xi32, #tpu.memory_space<vmem>>) semaphore(%arg9 : memref<!tpu.dma_semaphore, #tpu.memory_space<semaphore_mem>>) {add = true}
      %dma_wait3A = arith.constant 0 : i32
      %dma_wait3A_62 = tpu.memref_slice %arg6[%add3A_16, %dma_wait3A] : memref<125x80xi32, #tpu.memory_space<vmem>> -> memref<1x80xi32, #tpu.memory_space<vmem>>
      %dma_wait3A_63 = tpu.memref_squeeze %dma_wait3A_62 : memref<1x80xi32, #tpu.memory_space<vmem>> -> memref<80xi32, #tpu.memory_space<vmem>>
      %dma_wait3A_64 = arith.constant 0 : i32
      %dma_wait3A_65 = arith.constant 0 : i32
      %dma_wait3A_66 = tpu.memref_slice %arg8[%dma_wait3A_64, %dma_wait3A_65] : memref<10240x128xf32, #tpu.memory_space<vmem_shared>> -> memref<10240x128xf32, #tpu.memory_space<vmem_shared>>
      tpu.wait_indirect_dma semaphore(%arg9 : memref<!tpu.dma_semaphore, #tpu.memory_space<semaphore_mem>>) src(%arg7 : memref<80x128xf32, #tpu.memory_space<vmem>>) dst(%dma_wait3A_66 : memref<10240x128xf32, #tpu.memory_space<vmem_shared>>)
      %dma_wait3A_67 = arith.constant 0 : i32
      %dma_wait3A_68 = tpu.memref_slice %arg6[%add3A_25, %dma_wait3A_67] : memref<125x80xi32, #tpu.memory_space<vmem>> -> memref<1x80xi32, #tpu.memory_space<vmem>>
      %dma_wait3A_69 = tpu.memref_squeeze %dma_wait3A_68 : memref<1x80xi32, #tpu.memory_space<vmem>> -> memref<80xi32, #tpu.memory_space<vmem>>
      %dma_wait3A_70 = arith.constant 0 : i32
      %dma_wait3A_71 = arith.constant 0 : i32
      %dma_wait3A_72 = tpu.memref_slice %arg8[%dma_wait3A_70, %dma_wait3A_71] : memref<10240x128xf32, #tpu.memory_space<vmem_shared>> -> memref<10240x128xf32, #tpu.memory_space<vmem_shared>>
      tpu.wait_indirect_dma semaphore(%arg9 : memref<!tpu.dma_semaphore, #tpu.memory_space<semaphore_mem>>) src(%arg7 : memref<80x128xf32, #tpu.memory_space<vmem>>) dst(%dma_wait3A_72 : memref<10240x128xf32, #tpu.memory_space<vmem_shared>>)
      %dma_wait3A_73 = arith.constant 0 : i32
      %dma_wait3A_74 = tpu.memref_slice %arg6[%add3A_35, %dma_wait3A_73] : memref<125x80xi32, #tpu.memory_space<vmem>> -> memref<1x80xi32, #tpu.memory_space<vmem>>
      %dma_wait3A_75 = tpu.memref_squeeze %dma_wait3A_74 : memref<1x80xi32, #tpu.memory_space<vmem>> -> memref<80xi32, #tpu.memory_space<vmem>>
      %dma_wait3A_76 = arith.constant 0 : i32
      %dma_wait3A_77 = arith.constant 0 : i32
      %dma_wait3A_78 = tpu.memref_slice %arg8[%dma_wait3A_76, %dma_wait3A_77] : memref<10240x128xf32, #tpu.memory_space<vmem_shared>> -> memref<10240x128xf32, #tpu.memory_space<vmem_shared>>
      tpu.wait_indirect_dma semaphore(%arg9 : memref<!tpu.dma_semaphore, #tpu.memory_space<semaphore_mem>>) src(%arg7 : memref<80x128xf32, #tpu.memory_space<vmem>>) dst(%dma_wait3A_78 : memref<10240x128xf32, #tpu.memory_space<vmem_shared>>)
      %dma_wait3A_79 = arith.constant 0 : i32
      %dma_wait3A_80 = tpu.memref_slice %arg6[%add3A_45, %dma_wait3A_79] : memref<125x80xi32, #tpu.memory_space<vmem>> -> memref<1x80xi32, #tpu.memory_space<vmem>>
      %dma_wait3A_81 = tpu.memref_squeeze %dma_wait3A_80 : memref<1x80xi32, #tpu.memory_space<vmem>> -> memref<80xi32, #tpu.memory_space<vmem>>
      %dma_wait3A_82 = arith.constant 0 : i32
      %dma_wait3A_83 = arith.constant 0 : i32
      %dma_wait3A_84 = tpu.memref_slice %arg8[%dma_wait3A_82, %dma_wait3A_83] : memref<10240x128xf32, #tpu.memory_space<vmem_shared>> -> memref<10240x128xf32, #tpu.memory_space<vmem_shared>>
      tpu.wait_indirect_dma semaphore(%arg9 : memref<!tpu.dma_semaphore, #tpu.memory_space<semaphore_mem>>) src(%arg7 : memref<80x128xf32, #tpu.memory_space<vmem>>) dst(%dma_wait3A_84 : memref<10240x128xf32, #tpu.memory_space<vmem_shared>>)
      %dma_wait3A_85 = arith.constant 0 : i32
      %dma_wait3A_86 = tpu.memref_slice %arg6[%add3A_55, %dma_wait3A_85] : memref<125x80xi32, #tpu.memory_space<vmem>> -> memref<1x80xi32, #tpu.memory_space<vmem>>
      %dma_wait3A_87 = tpu.memref_squeeze %dma_wait3A_86 : memref<1x80xi32, #tpu.memory_space<vmem>> -> memref<80xi32, #tpu.memory_space<vmem>>
      %dma_wait3A_88 = arith.constant 0 : i32
      %dma_wait3A_89 = arith.constant 0 : i32
      %dma_wait3A_90 = tpu.memref_slice %arg8[%dma_wait3A_88, %dma_wait3A_89] : memref<10240x128xf32, #tpu.memory_space<vmem_shared>> -> memref<10240x128xf32, #tpu.memory_space<vmem_shared>>
      tpu.wait_indirect_dma semaphore(%arg9 : memref<!tpu.dma_semaphore, #tpu.memory_space<semaphore_mem>>) src(%arg7 : memref<80x128xf32, #tpu.memory_space<vmem>>) dst(%dma_wait3A_90 : memref<10240x128xf32, #tpu.memory_space<vmem_shared>>)
    }
    %scan3A_6 = arith.constant 25 : i32
    %barrier3A_7 = arith.constant 0 : index
    tpu.barrier barrier_id(%barrier3A_7)
    "tpu.region"() ({
      %run_scoped3A = tpu.sem_alloc : memref<!tpu.dma_semaphore, #tpu.memory_space<semaphore_mem>>
      %dma_start3A = arith.constant 0 : i32
      %dma_start3A_8 = arith.constant 0 : i32
      %dma_start3A_9 = tpu.memref_slice %arg5[%arg0, %dma_start3A, %dma_start3A_8] : memref<2x10240x128xf32, #tpu.memory_space<hbm>> -> memref<1x10240x128xf32, #tpu.memory_space<hbm>>
      %dma_start3A_10 = tpu.memref_squeeze %dma_start3A_9 : memref<1x10240x128xf32, #tpu.memory_space<hbm>> -> memref<10240x128xf32, #tpu.memory_space<hbm>>
      %dma_start3A_11 = arith.constant 0 : i32
      %dma_start3A_12 = tpu.memref_slice %dma_start3A_10[%mul3A_2, %dma_start3A_11] : memref<10240x128xf32, #tpu.memory_space<hbm>> -> memref<640x128xf32, #tpu.memory_space<hbm>>
      %dma_start3A_13 = arith.constant 0 : i32
      %dma_start3A_14 = tpu.memref_slice %arg8[%mul3A_2, %dma_start3A_13] : memref<10240x128xf32, #tpu.memory_space<vmem_shared>> -> memref<640x128xf32, #tpu.memory_space<vmem_shared>>
      tpu.enqueue_dma source(%dma_start3A_14 : memref<640x128xf32, #tpu.memory_space<vmem_shared>>) target(%dma_start3A_12 : memref<640x128xf32, #tpu.memory_space<hbm>>) target_semaphore(%run_scoped3A : memref<!tpu.dma_semaphore, #tpu.memory_space<semaphore_mem>>)
      %dma_wait3A = arith.constant 0 : i32
      %dma_wait3A_15 = arith.constant 0 : i32
      %dma_wait3A_16 = tpu.memref_slice %arg5[%arg0, %dma_wait3A, %dma_wait3A_15] : memref<2x10240x128xf32, #tpu.memory_space<hbm>> -> memref<1x10240x128xf32, #tpu.memory_space<hbm>>
      %dma_wait3A_17 = tpu.memref_squeeze %dma_wait3A_16 : memref<1x10240x128xf32, #tpu.memory_space<hbm>> -> memref<10240x128xf32, #tpu.memory_space<hbm>>
      %dma_wait3A_18 = arith.constant 0 : i32
      %dma_wait3A_19 = tpu.memref_slice %dma_wait3A_17[%mul3A_2, %dma_wait3A_18] : memref<10240x128xf32, #tpu.memory_space<hbm>> -> memref<640x128xf32, #tpu.memory_space<hbm>>
      %dma_wait3A_20 = arith.constant 0 : i32
      %dma_wait3A_21 = tpu.memref_slice %arg8[%mul3A_2, %dma_wait3A_20] : memref<10240x128xf32, #tpu.memory_space<vmem_shared>> -> memref<640x128xf32, #tpu.memory_space<vmem_shared>>
      tpu.wait_dma2 semaphore(%run_scoped3A : memref<!tpu.dma_semaphore, #tpu.memory_space<semaphore_mem>>) src(%dma_wait3A_21 : memref<640x128xf32, #tpu.memory_space<vmem_shared>>) dst(%dma_wait3A_19 : memref<640x128xf32, #tpu.memory_space<hbm>>)
      tpu.yield
    }) : () -> ()
    return
  }
}

</mosaic_0001>

<sc_bundles>
// kernel: _deg.3.cloned.1.call-start
scs
__scs_entry_jumppad:
0x0: {  	(pc) =	sbr.rel $0x88, $3  }
0x1: {  	(tag) =	ssettag $0x0;
	lr =	simm.s32 $0x1  }
0x2: {  	[smem:$0x3F9E] =	sst lr;
	_ =	strace $0xD0000000  }
0x3: {  	_ = 	snop  }
0x4: {  	_ = 	snop  }
0x5: {  	_ = 	snop  }
0x6: {  	_ = 	snop  }
0x7: {  	_ = 	snop  }
__scs_overlays_trampoline_lowered:
0x8: {  	[smem:$0x3FAD] =	sst s0  }
0x9: {  	[smem:$0x3FAE] =	sst s1  }
0xa: {  	[smem:$0x3FAF] =	sst s2  }
0xb: {  	[smem:$0x3FB0] =	sst s3  }
0xc: {  	[smem:$0x3FB1] =	sst s4  }
0xd: {  	[smem:$0x3FB2] =	sst s5  }
0xe: {  	[smem:$0x3FB3] =	sst s6  }
0xf: {  	[smem:$0x3FB4] =	sst s7  }
0x10: {  	[smem:$0x3FB5] =	sst s8  }
0x11: {  	[smem:$0x3FB6] =	sst s9;
	s0 =	simm.s32 @!p0 $0x0  }
0x12: {  	s1 =	sld [smem:$0x3F9C];
	s0 =	simm.s32 @p0 $0x1  }
0x13: {  	[smem:$0x3FB7] =	sst s0;
	s0 =	simm.s32 @!p1 $0x0  }
0x14: {  	s2 =	sld [smem:$0x3F9B];
	s0 =	simm.s32 @p1 $0x1  }
0x15: {  	[smem:$0x3FB8] =	sst s0;
	s0 =	simm.s32 @!p2 $0x0  }
0x16: {  	s3 =	sld [smem:$0x3FDB];
	s0 =	simm.s32 @p2 $0x1  }
0x17: {  	s4 =	simm.s32 $0x1BF5;
	[smem:$0x3FBA] =	sst s0  }
0x18: {  	s0 =	sld [smem:$0x3F9D];
	_ =	swait.ge [sflag:s4], $0x0  }
0x19: {  	s7 =	sld [smem:$0x3F9E]  }
0x1a: {  	s8 =	sadd.s32 $0xFFFFE003, lr  }
0x1b: {  	s9 =	sadd.s32 $0xFFFFFEF7, lr;
	s5 =	simm.s32 $0xFFFFFFFF;
	p2 =	slt.u32 s8, $0xFFFFF086  }
0x1c: {  	p1 =	slt.u32 s9, $0xF7A;
	s5 =	simm.s32 @!p2 $0x0  }
0x1d: {  	s5 =	simm.s32 @p1 $0x1;
	p0 =	seq.s32 s7, s2  }
0x1e: {  	s7 =	smul.u32 @!p0 $0xF7A, s2;
	p2 =	seq.s32 @!p0 s5, $0x0  }
0x1f: {  	s9 =	smul.u32 $0xF7A, s1;
	s8 =	simm.s32 @!p0 $0x1BF5;
	p2 =	por !p2, p0  }
0x20: {  	[sflag:s8] =	ssyncset.s32 @!p0 $0xFFFFF086;
	s6 =	sadd.s32 @!p0 s3, s7;
	s7 =	simm.s32 @!p0 $0x108  }
0x21: {  	s3 =	sadd.s32 s3, s9;
	s6 =	sadd.s32 @!p0 $0x88, s6;
	s7 =	simm.s32 @p2 $0x1082  }
0x22: {  	[simem:s7], [sflag:s8] =	dma.local @!p0 [hbm:s6], $0xF7A  }
0x23: {  	s9 =	sor.u32 $0xD0000000, s2;
	s6 =	simm.s32 $0x108;
	_ =	swait.ge @!p0 [sflag:s8], $0x0  }
0x24: {  	s3 =	sadd.s32 $0x88, s3;
	s6 =	simm.s32 @!p1 $0x1082;
	[sflag:s4] =	ssyncset.s32 $0xFFFFF086  }
0x25: {  	[simem:s6], [sflag:s4] =	dma.local [hbm:s3], $0xF7A  }
0x26: {  	[smem:$0x3F9E] =	sst s1;
	(tag) =	ssettag s2;
	_ =	strace s9  }
0x27: {  	s1 =	sld [smem:$0x3FAE]  }
0x28: {  	s2 =	sld [smem:$0x3FAF]  }
0x29: {  	s4 =	sld [smem:$0x3FB1]  }
0x2a: {  	p0 =	seq.s32 s5, $0x0;
	s5 =	sld [smem:$0x3FB2]  }
0x2b: {  	s6 =	sld [smem:$0x3FB3]  }
0x2c: {  	s7 =	sld [smem:$0x3FB4]  }
0x2d: {  	s3 =	simm.s32 $0x108;
	s8 =	sld [smem:$0x3FB5]  }
0x2e: {  	s3 =	simm.s32 @!p0 $0x1082;
	s9 =	sld [smem:$0x3FB6]  }
0x2f: {  	lr =	sadd.s32 s0, s3;
	s0 =	sld [smem:$0x3FAD]  }
0x30: {  	s3 =	sld [smem:$0x3FB0]  }
0x31: {  	[smem:$0x3FB9] =	sst s10  }
0x32: {  	s10 =	sld [smem:$0x3FB7];
	_ =	sdelay $0x3  }
0x33: {  	p0 =	seq.s32 s10, $0x1;
	s10 =	sld [smem:$0x3FB9];
	_ =	sdelay $0x3  }
0x34: {  	[smem:$0x3FB9] =	sst s10  }
0x35: {  	s10 =	sld [smem:$0x3FB8];
	_ =	sdelay $0x3  }
0x36: {  	p1 =	seq.s32 s10, $0x1;
	s10 =	sld [smem:$0x3FB9];
	_ =	sdelay $0x3  }
0x37: {  	[smem:$0x3FB9] =	sst s10  }
0x38: {  	s10 =	sld [smem:$0x3FBA]  }
0x39: {  	_ = 	snop;
	(pc) =	sbr.ind lr, $3  }
0x3a: {  	_ = 	snop  }
0x3b: {  	_ = 	snop  }
0x3c: {  	p2 =	seq.s32 s10, $0x1;
	s10 =	sld [smem:$0x3FB9]  }
0x3d: {  	_ =	shalt  }
0x3e: {  	_ =	shalt  }
0x3f: {  	_ =	shalt  }
0x40: {  	_ =	shalt  }
0x41: {  	_ =	shalt  }
0x42: {  	_ =	shalt  }
0x43: {  	_ =	shalt  }
0x44: {  	_ =	shalt  }
0x45: {  	_ =	shalt  }
0x46: {  	_ =	shalt  }
0x47: {  	_ =	shalt  }
0x48: {  	_ =	shalt  }
0x49: {  	_ =	shalt  }
0x4a: {  	_ =	shalt  }
0x4b: {  	_ =	shalt  }
0x4c: {  	_ =	shalt  }
0x4d: {  	_ =	shalt  }
0x4e: {  	_ =	shalt  }
0x4f: {  	_ =	shalt  }
0x50: {  	_ =	shalt  }
0x51: {  	_ =	shalt  }
0x52: {  	_ =	shalt  }
0x53: {  	_ =	shalt  }
0x54: {  	_ =	shalt  }
0x55: {  	_ =	shalt  }
0x56: {  	_ =	shalt  }
0x57: {  	_ =	shalt  }
0x58: {  	_ =	shalt  }
0x59: {  	_ =	shalt  }
0x5a: {  	_ =	shalt  }
0x5b: {  	_ =	shalt  }
0x5c: {  	_ =	shalt  }
0x5d: {  	_ =	shalt  }
0x5e: {  	_ =	shalt  }
0x5f: {  	_ =	shalt  }
0x60: {  	_ =	shalt  }
0x61: {  	_ =	shalt  }
0x62: {  	_ =	shalt  }
0x63: {  	_ =	shalt  }
0x64: {  	_ =	shalt  }
0x65: {  	_ =	shalt  }
0x66: {  	_ =	shalt  }
0x67: {  	_ =	shalt  }
0x68: {  	_ =	shalt  }
0x69: {  	_ =	shalt  }
0x6a: {  	_ =	shalt  }
0x6b: {  	_ =	shalt  }
0x6c: {  	_ =	shalt  }
0x6d: {  	_ =	shalt  }
0x6e: {  	_ =	shalt  }
0x6f: {  	_ =	shalt  }
0x70: {  	_ =	shalt  }
0x71: {  	_ =	shalt  }
0x72: {  	_ =	shalt  }
0x73: {  	_ =	shalt  }
0x74: {  	_ =	shalt  }
0x75: {  	_ =	shalt  }
0x76: {  	_ =	shalt  }
0x77: {  	_ =	shalt  }
0x78: {  	_ =	shalt  }
0x79: {  	_ =	shalt  }
0x7a: {  	_ =	shalt  }
0x7b: {  	_ =	shalt  }
0x7c: {  	_ =	shalt  }
0x7d: {  	_ =	shalt  }
0x7e: {  	_ =	shalt  }
0x7f: {  	_ =	shalt  }
0x80: {  	_ =	shalt  }
0x81: {  	_ =	shalt  }
0x82: {  	_ =	shalt  }
0x83: {  	_ =	shalt  }
0x84: {  	_ =	shalt  }
0x85: {  	_ =	shalt  }
0x86: {  	_ =	shalt  }
0x87: {  	_ =	shalt  }
.Lfunc_end0:
.L_simem_size_0:
called_computation_lowered:
.L_overlay_start_0:
0x88: {  	s2 =	sld [smem:$0x3FD9]  }
0x89: {  	s3 =	sld [smem:$0x3FFE];
	_ =	sdelay $0x1  }
0x8a: {  	s1 =	srdreg.scid  }
0x8b: {  	s0 =	sand.u32 $0x1, s1  }
0x8c: {  	s17 =	sshll.u32 s0, $0xA;
	s2 =	sadd.s32 s3, s2  }
0x8d: {  	s2 =	sadd.s32 s2, s17  }
0x8e: {  	[smem:$0x3FC5] =	sst s2  }
0x8f: {  	_ = 	snop  }
0x90: {  	s2 =	sld [smem:$0x3FC8]  }
0x91: {  	s18 =	sld [smem:$0x3FC7]  }
0x92: {  	s4 =	sld [smem:$0x3FD0];
	(tm) =	ssettm $0x1  }
0x93: {  	s5 =	sld [smem:$0x3FFB];
	_ =	sdelay $0x3  }
0x94: {  	_ =	strace s5  }
0x95: {  	s5 =	sld [smem:$0x3FFC];
	_ =	sdelay $0x3  }
0x96: {  	_ =	strace s5  }
0x97: {  	s5 =	sld [smem:$0x3FFD];
	_ =	sdelay $0x3  }
0x98: {  	_ =	strace s5  }
0x99: {  	_ =	strace $0x8FFFFFFF  }
0x9a: {  	s19 =	sld [smem:$0x3FDB];
	_ =	sdelay $0x1  }
0x9b: {  	s6 =	simm.s32 $_scs_section_size  }
0x9c: {  	s7 =	simm.s32 $_size__tile_overlayer_lowered;
	s8 =	simm.s32 $_tile_overlayer_lowered  }
0x9d: {  	s22 =	simm.s32 $0x1BFF;
	s21 =	sshll.u32 s8, $0x1;
	s5 =	sadd.s32 s6, s19  }
0x9e: {  	s9 =	simm.s32 $0x0;
	s20 =	sshll.u32 s7, $0x1;
	s7 =	sadd.s32 s21, s5  }
0x9f: {  	[timem:s9], [sflag:s22] =	dma.local [hbm:s7], s20  }
0xa0: {  	_ =	swait.ge [sflag:s22], s20  }
0xa1: {  	s6 =	ssub.s32 $0x0, s20;
	[sflag:s22] =	ssyncset.done $0x0  }
0xa2: {  	[sflag:s22] =	ssyncadd.s32 s6;
	_ =	sdelay $0x1  }
0xa3: {  	s23 =	simm.s32 $0x1B8B  }
0xa4: {  	_ =	swait.ge [sflag:s23], $0x1  }
0xa5: {  	[sflag:s23] =	ssyncset.done $0x0  }
0xa6: {  	s25 =	simm.s32 $0x1B8E;
	s24 =	sld [smem:$0x3FFE];
	[sflag:s23] =	ssyncadd.s32 $0xFFFFFFFF  }
0xa7: {  	s26 =	simm.s32 $execute0_lowered;
	[smem:$0x3FD2] =	sst s25  }
0xa8: {  	s7 =	sshll.u32 s26, $0x1;
	_ =	strace $0x80000046;
	[dreg:$0x1] =	wrdreg $0xFFFFFFFF  }
0xa9: {  	s28 =	simm.s32 $_size_execute0_lowered;
	s5 =	sadd.s32 s5, s7;
	[dreg:$0x0] =	wrdreg $0x0  }
0xaa: {  	s7 =	sshll.u32 s28, $0x1;
	[dreg:$0x2] =	wrdreg s5  }
0xab: {  	[dreg:$0x3] =	wrdreg s7  }
0xac: {  	[dreg:$0x4] =	wrdreg $0xC0  }
0xad: {  	_ =	task [dreg:s9], $0x5FFFF  }
0xae: {  	[dreg:$0x1] =	wrdreg $0xFFFFFFFF  }
0xaf: {  	[dreg:$0x0] =	wrdreg $0x60  }
0xb0: {  	[dreg:$0x2] =	wrdreg s24  }
0xb1: {  	[dreg:$0x3] =	wrdreg s2  }
0xb2: {  	[dreg:$0x4] =	wrdreg s18  }
0xb3: {  	[dreg:$0x5] =	wrdreg s4  }
0xb4: {  	[dreg:$0x6] =	wrdreg $0x68000  }
0xb5: {  	[dreg:$0x7] =	wrdreg $0x9  }
0xb6: {  	_ =	task.clear_ibuf [dreg:s9], $0x8FFFF;
	_ =	strace $0x90000046  }
0xb7: {  	s29 =	simm.s32 $0x9;
	_ =	strace $0x80000048  }
0xb8: {  	_ =	swait.ge [sflag:s29], $0x1  }
0xb9: {  	[sflag:s29] =	ssyncadd.s32 $0xFFFFFFFF  }
0xba: {  	_ =	strace $0x90000048  }
0xbb: {  	_ =	sfence  }
0xbc: {  	s30 =	sld [smem:$0x0];
	_ =	sdelay $0x2  }
0xbd: {  	s31 =	sshll.u32 s1, $0xD;
	s1 =	sshrl.u32 s1, $0x2  }
0xbe: {  	s3 =	sand.u32 $0x4000, s31;
	s1 =	sadd.s32 s1, s30  }
0xbf: {  	s0 =	sor.u32 s3, s0;
	s1 =	sshll.u32 s1, $0x11  }
0xc0: {  	s0 =	sor.u32 s1, s0  }
0xc1: {  	s0 =	sadd.s32 $0x8F2B, s0  }
0xc2: {  	[sflag:s0] =	ssyncadd.remote.s32 $0x1  }
0xc3: {  	_ =	sfence.sel $0xFFFF  }
0xc4: {  	[dreg:$0x0] =	wrdreg $0xFFFFFFFF;
	(pc) =	sbr.abs _section_cstart, $3  }
0xc5: {  	[dreg:$0x1] =	wrdreg $0xFFFFFFFF  }
0xc6: {  	_ =	task.clear_ibuf [dreg:s9], $0x2FFFF;
	_ =	strace $0x9FFFFFFF  }
0xc7: {  	(tm) =	ssettm $0x7FFFFFFF  }
tec
execute0_lowered:
.L_overlay_start_1:
0x0: {  	(tag) =	ssettag $0x1  }
0x1: {  	s5 =	rddreg [dreg:$0x0]  }
0x2: {  	s1 =	rddreg [dreg:$0x1]  }
0x3: {  	s6 =	rddreg [dreg:$0x2]  }
0x4: {  	s7 =	rddreg [dreg:$0x3]  }
0x5: {  	s3 =	rddreg [dreg:$0x4]  }
0x6: {  	s0 =	rddreg [dreg:$0x5];
	s4 =	simm.s32 $0x0  }
0x7: {  	s2 =	stileid.u32;
	s8 =	srdreg.scid;
	s13 =	simm.s32 $0x1  }
0x8: {  	[smem:$0x7FF] =	sst s4;
	s9 =	sshll.u32 s2, $0xB;
	s10 =	smul.u32 $0x50000, s2  }
0x9: {  	s8 =	sand.u32 $0x1, s8;
	s14 =	smul.u32 $0x2800, s2;
	s31 =	sshll.u32 s2, $0x6  }
0xa: {  	_ =	strace $0x80000047;
	s5 =	sadd.s32 s9, s5;
	s29 =	ssub.s32 $0x2, s8  }
0xb: {  	s12 =	sshll.u32 s8, $0xF;
	s8 =	smul.u32 $0x28000, s8;
	s11 =	sshrl.u32 s29, $0x1  }
0xc: {  	s5 =	sadd.s32 s12, s5;
	s10 =	sshrl.u32 s10, $0x2;
	s6 =	sadd.s32 s6, s14  }
0xd: {  	s12 =	simm.s32 $0x50;
	s9 =	ssub.s32 s29, s11;
	s5 =	sadd.s32 $0x400, s5  }
0xe: {  	s30 =	sadd.s32 s10, s3;
	s15 =	sadd.s32 s7, s8;
	s8 =	simm.s32 $0x4000  }
0xf: {  	s10 =	sor.u32 $0x1C02, s31;
	s7 =	smax.u32 s9, $0x1;
	s9 =	simm.s32 $0x2  }
0x10: {  	s11 =	sshrl.u32 s30, $0x3;
	s14 =	sadd.s32 s14, s15;
	s15 =	simm.s32 $0x0  }
.LBB2_1:
0x11: {  	[tilespmem:s8], [sflag:$0x2] =	stream.linear.gather [hbm4b:s1+s4], $0x2800, $0x38;
	[tilespmem:$0x1A800] =	vst v63  }
0x12: {  	_ =	swait.ge [sflag:s9], $0x2800  }
0x13: {  	[sflag:s9] =	ssyncset.done $0x0  }
0x14: {  	[sflag:s9] =	ssyncadd.s32 $0xFFFFD800  }
0x15: {  	[tilespmem:s4], [sflag:$0x2] =	stream.linear.gather [hbm4b:s5+s4], $0x3E80, $0x38;
	[tilespmem:$0x1A800] =	vst v63  }
0x16: {  	_ =	swait.ge [sflag:s9], $0x3E80  }
0x17: {  	[sflag:s9] =	ssyncset.done $0x0  }
0x18: {  	[sflag:s9] =	ssyncadd.s32 $0xFFFFC180  }
0x19: {  	[spmem:s11], [sflag:s10] =	dma.local [hbm:s6], $0x2800  }
0x1a: {  	_ =	swait.ge [sflag:s9], $0x2800  }
0x1b: {  	[sflag:s9] =	ssyncset.done $0x0  }
0x1c: {  	[sflag:s9] =	ssyncadd.s32 $0xFFFFD800  }
0x1d: {  	s16 =	simm.s32 $0x0;
	[bflag:$0x0] =	sbarrier.arrive $0xFFFF  }
0x1e: {  	[spmem:s3] =	stream.indirect.scatter.add.f32 [tilespmem:s8], [sflag:$0x1], $0x80, s16, s12, $0xb8;
	[tilespmem:$0x1A800] =	vst v63  }
0x1f: {  	s28 =	simm.s32 $0x80  }
0x20: {  	[spmem:s3] =	stream.indirect.scatter.add.f32 [tilespmem:s8], [sflag:$0x1], $0x80, s28, s12, $0xb8;
	[tilespmem:$0x1A800] =	vst v63  }
0x21: {  	s29 =	simm.s32 $0x100  }
0x22: {  	[spmem:s3] =	stream.indirect.scatter.add.f32 [tilespmem:s8], [sflag:$0x1], $0x80, s29, s12, $0xb8;
	[tilespmem:$0x1A800] =	vst v63  }
0x23: {  	s30 =	simm.s32 $0x180  }
0x24: {  	[spmem:s3] =	stream.indirect.scatter.add.f32 [tilespmem:s8], [sflag:$0x1], $0x80, s30, s12, $0xb8;
	[tilespmem:$0x1A800] =	vst v63  }
0x25: {  	s31 =	simm.s32 $0x200  }
0x26: {  	[spmem:s3] =	stream.indirect.scatter.add.f32 [tilespmem:s8], [sflag:$0x1], $0x80, s31, s12, $0xb8;
	[tilespmem:$0x1A800] =	vst v63  }
0x27: {  	_ =	swait.ge [sflag:s13], $0x2800  }
0x28: {  	[sflag:s13] =	ssyncset.done $0x0  }
0x29: {  	[sflag:s13] =	ssyncadd.s32 $0xFFFFD800  }
0x2a: {  	_ =	swait.ge [sflag:s13], $0x2800  }
0x2b: {  	[sflag:s13] =	ssyncset.done $0x0  }
0x2c: {  	[sflag:s13] =	ssyncadd.s32 $0xFFFFD800  }
0x2d: {  	_ =	swait.ge [sflag:s13], $0x2800  }
0x2e: {  	[sflag:s13] =	ssyncset.done $0x0  }
0x2f: {  	[sflag:s13] =	ssyncadd.s32 $0xFFFFD800  }
0x30: {  	_ =	swait.ge [sflag:s13], $0x2800  }
0x31: {  	[sflag:s13] =	ssyncset.done $0x0  }
0x32: {  	[sflag:s13] =	ssyncadd.s32 $0xFFFFD800  }
0x33: {  	_ =	swait.ge [sflag:s13], $0x2800  }
0x34: {  	s17 =	simm.s32 $0x1400;
	s16 =	simm.s32 $0xA00;
	[sflag:s13] =	ssyncset.done $0x0  }
.LBB2_2:
0x35: {  	s18 =	sshra.s32 s16, $0x2  }
0x36: {  	[sflag:s13] =	ssyncadd.s32 $0xFFFFD800;
	s16 =	smov.u32 s17;
	s19 =	sadd.s32 $0xA00, s17  }
0x37: {  	[spmem:s3] =	stream.indirect.scatter.add.f32 [tilespmem:s8], [sflag:$0x1], $0x80, s18, s12, $0xb8;
	[tilespmem:$0x1A800] =	vst v63  }
0x38: {  	p0 =	sne.s32 s17, $0xF000;
	s17 =	sadd.s32 $0x80, s18  }
0x39: {  	[spmem:s3] =	stream.indirect.scatter.add.f32 [tilespmem:s8], [sflag:$0x1], $0x80, s17, s12, $0xb8;
	[tilespmem:$0x1A800] =	vst v63  }
0x3a: {  	s17 =	sadd.s32 $0x100, s18  }
0x3b: {  	[spmem:s3] =	stream.indirect.scatter.add.f32 [tilespmem:s8], [sflag:$0x1], $0x80, s17, s12, $0xb8;
	[tilespmem:$0x1A800] =	vst v63  }
0x3c: {  	s17 =	sadd.s32 $0x180, s18  }
0x3d: {  	[spmem:s3] =	stream.indirect.scatter.add.f32 [tilespmem:s8], [sflag:$0x1], $0x80, s17, s12, $0xb8;
	[tilespmem:$0x1A800] =	vst v63  }
0x3e: {  	s17 =	sadd.s32 $0x200, s18  }
0x3f: {  	[spmem:s3] =	stream.indirect.scatter.add.f32 [tilespmem:s8], [sflag:$0x1], $0x80, s17, s12, $0xb8;
	[tilespmem:$0x1A800] =	vst v63  }
0x40: {  	_ =	swait.ge [sflag:s13], $0x2800  }
0x41: {  	[sflag:s13] =	ssyncset.done $0x0  }
0x42: {  	[sflag:s13] =	ssyncadd.s32 $0xFFFFD800  }
0x43: {  	_ =	swait.ge [sflag:s13], $0x2800  }
0x44: {  	[sflag:s13] =	ssyncset.done $0x0  }
0x45: {  	[sflag:s13] =	ssyncadd.s32 $0xFFFFD800  }
0x46: {  	_ =	swait.ge [sflag:s13], $0x2800  }
0x47: {  	[sflag:s13] =	ssyncset.done $0x0  }
0x48: {  	[sflag:s13] =	ssyncadd.s32 $0xFFFFD800  }
.Ltmp0:
0x49: {  	_ =	swait.ge [sflag:s13], $0x2800;
	(pc) =	sbr.rel @p0 .LBB2_2-.Ltmp0, $4  }
0x4a: {  	[sflag:s13] =	ssyncset.done $0x0  }
0x4b: {  	[sflag:s13] =	ssyncadd.s32 $0xFFFFD800  }
0x4c: {  	_ =	swait.ge [sflag:s13], $0x2800  }
0x4d: {  	s17 =	smov.u32 s19;
	[sflag:s13] =	ssyncset.done $0x0  }
0x4e: {  	s16 =	sshra.s32 s16, $0x2;
	[sflag:s13] =	ssyncadd.s32 $0xFFFFD800  }
0x4f: {  	[spmem:s3] =	stream.indirect.scatter.add.f32 [tilespmem:s8], [sflag:$0x1], $0x80, s16, s12, $0xb8;
	[tilespmem:$0x1A800] =	vst v63  }
0x50: {  	s17 =	sadd.s32 $0x80, s16  }
0x51: {  	[spmem:s3] =	stream.indirect.scatter.add.f32 [tilespmem:s8], [sflag:$0x1], $0x80, s17, s12, $0xb8;
	[tilespmem:$0x1A800] =	vst v63  }
0x52: {  	s30 =	sadd.s32 $0x100, s16  }
0x53: {  	[spmem:s3] =	stream.indirect.scatter.add.f32 [tilespmem:s8], [sflag:$0x1], $0x80, s30, s12, $0xb8;
	[tilespmem:$0x1A800] =	vst v63  }
0x54: {  	s31 =	sadd.s32 $0x180, s16  }
0x55: {  	[spmem:s3] =	stream.indirect.scatter.add.f32 [tilespmem:s8], [sflag:$0x1], $0x80, s31, s12, $0xb8;
	[tilespmem:$0x1A800] =	vst v63  }
0x56: {  	s16 =	sadd.s32 $0x200, s16  }
0x57: {  	[spmem:s3] =	stream.indirect.scatter.add.f32 [tilespmem:s8], [sflag:$0x1], $0x80, s16, s12, $0xb8;
	[tilespmem:$0x1A800] =	vst v63  }
0x58: {  	_ =	swait.ge [sflag:s13], $0x2800  }
0x59: {  	[sflag:s13] =	ssyncset.done $0x0  }
0x5a: {  	[sflag:s13] =	ssyncadd.s32 $0xFFFFD800  }
0x5b: {  	_ =	swait.ge [sflag:s13], $0x2800  }
0x5c: {  	[sflag:s13] =	ssyncset.done $0x0  }
0x5d: {  	[sflag:s13] =	ssyncadd.s32 $0xFFFFD800  }
0x5e: {  	_ =	swait.ge [sflag:s13], $0x2800  }
0x5f: {  	[sflag:s13] =	ssyncset.done $0x0  }
0x60: {  	[sflag:s13] =	ssyncadd.s32 $0xFFFFD800  }
0x61: {  	_ =	swait.ge [sflag:s13], $0x2800  }
0x62: {  	[sflag:s13] =	ssyncset.done $0x0  }
0x63: {  	[sflag:s13] =	ssyncadd.s32 $0xFFFFD800  }
0x64: {  	_ =	swait.ge [sflag:s13], $0x2800  }
0x65: {  	s15 =	sadd.s32 $0x1, s15;
	[sflag:s13] =	ssyncset.done $0x0  }
0x66: {  	p0 =	sne.s32 s15, s7;
	[sflag:s13] =	ssyncadd.s32 $0xFFFFD800  }
.Ltmp1:
0x67: {  	[bflag:$0x0] =	sbarrier.arrive $0xFFFF;
	(pc) =	sbr.rel @p0 .LBB2_1-.Ltmp1, $4  }
0x68: {  	[hbm:s14], [sflag:s10] =	dma.local [spmem:s11], $0x2800  }
0x69: {  	_ =	swait.ge [sflag:s9], $0x2800  }
0x6a: {  	[sflag:s9] =	ssyncset.done $0x0  }
0x6b: {  	[sflag:s9] =	ssyncadd.s32 $0xFFFFD800  }
0x6c: {  	_ =	sfence.sel $0x180000  }
0x6d: {  	[bflag:$0x0] =	sbarrier.arrive $0xFFFF  }
0x6e: {  	p0 =	sne.s32 s2, $0x0;
	_ =	strace $0x90000047  }
0x6f: {  	s0 =	sadd.s32 @!p0 $0x100000, s0;
	[bflag:$0x2] =	sbarrier.arrive $0xFFFF  }
0x70: {  	[sflag:s0] =	ssyncadd.tile.s32 @!p0 $0x1;
	_ =	shalt  }
.Lfunc_end2:
_tile_overlayer_lowered:
.L_overlay_start_2:
0x71: {  	(tag) =	ssettag $0x2  }
0x72: {  	s0 =	rddreg [dreg:$0x0];
	s2 =	stileid.u32  }
0x73: {  	s1 =	rddreg [dreg:$0x1];
	p0 =	sne.s32 s2, $0x0  }
0x74: {  	s3 =	rddreg [dreg:$0x2];
	[bflag:$0x3] =	sbarrier.arrive $0xFFFF;
	s2 =	simm.s32 @!p0 $0x1C02  }
0x75: {  	[timem:s3], [sflag:s2] =	dma.local @!p0 [hbm:s0], s1  }
0x76: {  	s0 =	simm.s32 @!p0 $0x2  }
0x77: {  	_ =	swait.ge @!p0 [sflag:s0], s1  }
0x78: {  	s1 =	ssub.s32 @!p0 $0x0, s1;
	[sflag:s0] =	ssyncset.done @!p0 $0x0  }
0x79: {  	[sflag:s0] =	ssyncadd.s32 @!p0 s1  }
0x7a: {  	[bflag:$0x3] =	sbarrier.arrive $0xFFFF  }
0x7b: {  	_ =	shalt  }

</sc_bundles>
